<compile_context>
chip_gen: v7x
topology: tpu7x:2x2x1
jax: 0.10.2.dev20260603
libtpu: 0.0.44.dev20260713+nightly
codegen_flags: <defaults>
</compile_context>

<pallas_src>
import functools

import jax
import jax.numpy as jnp
from jax import lax
from jax.experimental import pallas as pl
from jax.experimental.pallas import tpu as pltpu
from jax.experimental.pallas import tpu_sc as plsc

EMB_DIM = 128
BATCH = 4096
_BM = 512


def _make_sc_gather(B, D):
    info = plsc.get_sparse_core_info()
    NC, NS = info.num_cores, info.num_subcores
    NW = NC * NS
    b_per_w = B // NW
    mesh = plsc.VectorSubcoreMesh(core_axis_name="c", subcore_axis_name="s")

    @functools.partial(
        pl.kernel,
        mesh=mesh,
        out_type=(
            jax.ShapeDtypeStruct((B, D), jnp.float32),
            jax.ShapeDtypeStruct((B, D), jnp.float32),
        ),
        scratch_types=[
            pltpu.VMEM((b_per_w,), jnp.int32),
            pltpu.VMEM((b_per_w,), jnp.int32),
            pltpu.VMEM((b_per_w, D), jnp.float32),
            pltpu.VMEM((b_per_w, D), jnp.float32),
            pltpu.SemaphoreType.DMA,
            pltpu.SemaphoreType.DMA,
            pltpu.SemaphoreType.DMA,
            pltpu.SemaphoreType.DMA,
        ],
    )
    def gather2(d_tab, d_idx, u_tab, u_idx, out_d, out_u,
                idx_d, idx_u, rows_d, rows_u, sem_d, sem_u, sem_i, sem_o):
        wid = lax.axis_index("s") * NC + lax.axis_index("c")
        base = wid * b_per_w
        half = b_per_w // 2
        cp_id = pltpu.async_copy(d_idx.at[pl.ds(base, b_per_w)], idx_d, sem_i)
        cp_iu = pltpu.async_copy(u_idx.at[pl.ds(base, b_per_w)], idx_u, sem_i)
        cp_id.wait()
        cp_d0 = pltpu.async_copy(d_tab.at[idx_d.at[pl.ds(0, half)]],
                                 rows_d.at[pl.ds(0, half)], sem_d)
        cp_iu.wait()
        cp_u0 = pltpu.async_copy(u_tab.at[idx_u.at[pl.ds(0, half)]],
                                 rows_u.at[pl.ds(0, half)], sem_u)
        cp_d1 = pltpu.async_copy(d_tab.at[idx_d.at[pl.ds(half, half)]],
                                 rows_d.at[pl.ds(half, half)], sem_d)
        cp_u1 = pltpu.async_copy(u_tab.at[idx_u.at[pl.ds(half, half)]],
                                 rows_u.at[pl.ds(half, half)], sem_u)
        cp_d0.wait()
        cp_od0 = pltpu.async_copy(rows_d.at[pl.ds(0, half)],
                                  out_d.at[pl.ds(base, half)], sem_o)
        cp_u0.wait()
        cp_ou0 = pltpu.async_copy(rows_u.at[pl.ds(0, half)],
                                  out_u.at[pl.ds(base, half)], sem_o)
        cp_d1.wait()
        cp_od1 = pltpu.async_copy(rows_d.at[pl.ds(half, half)],
                                  out_d.at[pl.ds(base + half, half)], sem_o)
        cp_u1.wait()
        cp_ou1 = pltpu.async_copy(rows_u.at[pl.ds(half, half)],
                                  out_u.at[pl.ds(base + half, half)], sem_o)
        cp_od0.wait()
        cp_ou0.wait()
        cp_od1.wait()
        cp_ou1.wait()

    return gather2


def _score_logsoftmax_body(d_ref, v_ref, o_ref):
    s = lax.dot_general(
        d_ref[...], v_ref[...],
        dimension_numbers=(((1,), (1,)), ((), ())),
        preferred_element_type=jnp.float32,
    )
    lse = jnp.log(jnp.sum(jnp.exp(s), axis=1, keepdims=True))
    o_ref[...] = s - lse


def _fused_score_logsoftmax(emb_d, emb_v):
    B = emb_d.shape[0]
    D = emb_d.shape[1]
    return pl.pallas_call(
        _score_logsoftmax_body,
        grid=(B // _BM,),
        in_specs=[
            pl.BlockSpec((_BM, D), lambda i: (i, 0)),
            pl.BlockSpec(memory_space=pltpu.VMEM),
        ],
        out_specs=pl.BlockSpec((_BM, B), lambda i: (i, 0)),
        out_shape=jax.ShapeDtypeStruct((B, B), jnp.float32),
    )(emb_d, emb_v)


@jax.jit
def kernel(doc_u, pos_v, D_emb, U_emb):
    gather2 = _make_sc_gather(BATCH, EMB_DIM)
    emb_d, emb_v = gather2(D_emb, doc_u, U_emb, pos_v)
    return _fused_score_logsoftmax(emb_d, emb_v)

# --- scband reference (transcript-rebuilt; emitter-appended) ---
"""Pipeline reference for scband-skip-gram-model-11544872092053 (READ-ONLY COPY).

The authoritative reference and input builder live on the scoring server;
editing this copy changes nothing except your own understanding.
"""

import jax, jax.numpy as jnp
import numpy as np

DOC_SIZE = 100000
VOC_SIZE = 100000
EMB_DIM = 128
BATCH = 4096

def setup_inputs(seed: int = 0) -> dict:
    key = jax.random.key(seed)
    k1, k2, k3, k4 = jax.random.split(key, 4)
    initrange = 0.5 / EMB_DIM * 10
    doc_u = jax.random.randint(k1, (BATCH,), 0, DOC_SIZE, dtype=jnp.int64 if jax.config.jax_enable_x64 else jnp.int32).astype(jnp.int32)
    pos_v = jax.random.randint(k2, (BATCH,), 0, VOC_SIZE, dtype=jnp.int64 if jax.config.jax_enable_x64 else jnp.int32).astype(jnp.int32)
    D_emb = jax.random.uniform(k3, (DOC_SIZE, EMB_DIM), dtype=jnp.float32, minval=-initrange, maxval=initrange)
    U_emb = jax.random.uniform(k4, (VOC_SIZE, EMB_DIM), dtype=jnp.float32, minval=-initrange, maxval=initrange)
    return {"doc_u": doc_u, "pos_v": pos_v, "D_emb": D_emb, "U_emb": U_emb}

def reference(doc_u, pos_v, D_emb, U_emb):
    # emb_d = self.d_embeddings(doc_u)
    emb_d = jnp.take(D_emb, doc_u, axis=0)
    # emb_v = self.u_embeddings(pos_v)
    emb_v = jnp.take(U_emb, pos_v, axis=0)
    # score = emb_d @ emb_v.T
    score = jnp.matmul(emb_d, emb_v.T)
    # log_softmax over dim=1
    score = jax.nn.log_softmax(score, axis=1)
    return score

if __name__ == "__main__":
    import jax
    _d = setup_inputs()
    print(jax.jit(kernel)(*tuple(_d.values())))

</pallas_src>

<mosaic_0001>
#map = affine_map<(d0, d1) -> (0, 0)>
#map1 = affine_map<(d0, d1) -> (0)>
module attributes {stable_mosaic.version = 14 : i64} {
  func.func @gather2(%arg0: i32, %arg1: i32, %arg2: memref<100000x128xf32, #tpu.memory_space<hbm>>, %arg3: memref<4096xi32, #tpu.memory_space<hbm>>, %arg4: memref<100000x128xf32, #tpu.memory_space<hbm>>, %arg5: memref<4096xi32, #tpu.memory_space<hbm>>, %arg6: memref<4096x128xf32, #tpu.memory_space<hbm>>, %arg7: memref<4096x128xf32, #tpu.memory_space<hbm>>, %arg8: memref<128xi32, #tpu.memory_space<vmem>>, %arg9: memref<128xi32, #tpu.memory_space<vmem>>, %arg10: memref<128x128xf32, #tpu.memory_space<vmem>>, %arg11: memref<128x128xf32, #tpu.memory_space<vmem>>, %arg12: memref<!tpu.dma_semaphore, #tpu.memory_space<semaphore_mem>>, %arg13: memref<!tpu.dma_semaphore, #tpu.memory_space<semaphore_mem>>, %arg14: memref<!tpu.dma_semaphore, #tpu.memory_space<semaphore_mem>>, %arg15: memref<!tpu.dma_semaphore, #tpu.memory_space<semaphore_mem>>) attributes {dimension_semantics = [#tpu.dimension_semantics<core_parallel>, #tpu.dimension_semantics<subcore_parallel>], iteration_bounds = array<i64: 2, 16>, scalar_prefetch = 0 : i64, scratch_operands = 8 : i64, tpu.core_type = #tpu.core_type<sc_vector_subcore>, window_params = [{transform_indices = #map}, {transform_indices = #map1}, {transform_indices = #map}, {transform_indices = #map1}, {transform_indices = #map}, {transform_indices = #map}]} {
    %mul3A = arith.constant 2 : i32
    %mul3A_0 = arith.muli %arg1, %mul3A : i32
    %add3A = arith.addi %mul3A_0, %arg0 : i32
    %mul3A_1 = arith.constant 128 : i32
    %mul3A_2 = arith.muli %add3A, %mul3A_1 : i32
    %dma_start3A = tpu.memref_slice %arg3[%mul3A_2] : memref<4096xi32, #tpu.memory_space<hbm>> -> memref<128xi32, #tpu.memory_space<hbm>>
    %dma_start3A_3 = tpu.memref_slice %arg3[%mul3A_2] : memref<4096xi32, #tpu.memory_space<hbm>> -> memref<128xi32, #tpu.memory_space<hbm>>
    tpu.enqueue_dma source(%dma_start3A_3 : memref<128xi32, #tpu.memory_space<hbm>>) target(%arg8 : memref<128xi32, #tpu.memory_space<vmem>>) target_semaphore(%arg14 : memref<!tpu.dma_semaphore, #tpu.memory_space<semaphore_mem>>)
    %dma_start3A_4 = tpu.memref_slice %arg5[%mul3A_2] : memref<4096xi32, #tpu.memory_space<hbm>> -> memref<128xi32, #tpu.memory_space<hbm>>
    %dma_start3A_5 = tpu.memref_slice %arg5[%mul3A_2] : memref<4096xi32, #tpu.memory_space<hbm>> -> memref<128xi32, #tpu.memory_space<hbm>>
    tpu.enqueue_dma source(%dma_start3A_5 : memref<128xi32, #tpu.memory_space<hbm>>) target(%arg9 : memref<128xi32, #tpu.memory_space<vmem>>) target_semaphore(%arg14 : memref<!tpu.dma_semaphore, #tpu.memory_space<semaphore_mem>>)
    %dma_wait3A = tpu.memref_slice %arg3[%mul3A_2] : memref<4096xi32, #tpu.memory_space<hbm>> -> memref<128xi32, #tpu.memory_space<hbm>>
    %dma_wait3A_6 = tpu.memref_slice %arg3[%mul3A_2] : memref<4096xi32, #tpu.memory_space<hbm>> -> memref<128xi32, #tpu.memory_space<hbm>>
    tpu.wait_dma2 semaphore(%arg14 : memref<!tpu.dma_semaphore, #tpu.memory_space<semaphore_mem>>) src(%dma_wait3A_6 : memref<128xi32, #tpu.memory_space<hbm>>) dst(%arg8 : memref<128xi32, #tpu.memory_space<vmem>>)
    %dma_start3A_7 = arith.constant 0 : i32
    %dma_start3A_8 = arith.constant 0 : i32
    %dma_start3A_9 = tpu.memref_slice %arg10[%dma_start3A_7, %dma_start3A_8] : memref<128x128xf32, #tpu.memory_space<vmem>> -> memref<64x128xf32, #tpu.memory_space<vmem>>
    %dma_start3A_10 = arith.constant 0 : i32
    %dma_start3A_11 = tpu.memref_slice %arg8[%dma_start3A_10] : memref<128xi32, #tpu.memory_space<vmem>> -> memref<64xi32, #tpu.memory_space<vmem>>
    %dma_start3A_12 = arith.constant 0 : i32
    %dma_start3A_13 = arith.constant 0 : i32
    %dma_start3A_14 = tpu.memref_slice %arg2[%dma_start3A_12, %dma_start3A_13] : memref<100000x128xf32, #tpu.memory_space<hbm>> -> memref<100000x128xf32, #tpu.memory_space<hbm>>
    tpu.enqueue_indirect_dma source(%dma_start3A_14 : memref<100000x128xf32, #tpu.memory_space<hbm>>) target(%dma_start3A_9 : memref<64x128xf32, #tpu.memory_space<vmem>>) offsets(%dma_start3A_11 : memref<64xi32, #tpu.memory_space<vmem>>) semaphore(%arg12 : memref<!tpu.dma_semaphore, #tpu.memory_space<semaphore_mem>>)
    %dma_wait3A_15 = tpu.memref_slice %arg5[%mul3A_2] : memref<4096xi32, #tpu.memory_space<hbm>> -> memref<128xi32, #tpu.memory_space<hbm>>
    %dma_wait3A_16 = tpu.memref_slice %arg5[%mul3A_2] : memref<4096xi32, #tpu.memory_space<hbm>> -> memref<128xi32, #tpu.memory_space<hbm>>
    tpu.wait_dma2 semaphore(%arg14 : memref<!tpu.dma_semaphore, #tpu.memory_space<semaphore_mem>>) src(%dma_wait3A_16 : memref<128xi32, #tpu.memory_space<hbm>>) dst(%arg9 : memref<128xi32, #tpu.memory_space<vmem>>)
    %dma_start3A_17 = arith.constant 0 : i32
    %dma_start3A_18 = arith.constant 0 : i32
    %dma_start3A_19 = tpu.memref_slice %arg11[%dma_start3A_17, %dma_start3A_18] : memref<128x128xf32, #tpu.memory_space<vmem>> -> memref<64x128xf32, #tpu.memory_space<vmem>>
    %dma_start3A_20 = arith.constant 0 : i32
    %dma_start3A_21 = tpu.memref_slice %arg9[%dma_start3A_20] : memref<128xi32, #tpu.memory_space<vmem>> -> memref<64xi32, #tpu.memory_space<vmem>>
    %dma_start3A_22 = arith.constant 0 : i32
    %dma_start3A_23 = arith.constant 0 : i32
    %dma_start3A_24 = tpu.memref_slice %arg4[%dma_start3A_22, %dma_start3A_23] : memref<100000x128xf32, #tpu.memory_space<hbm>> -> memref<100000x128xf32, #tpu.memory_space<hbm>>
    tpu.enqueue_indirect_dma source(%dma_start3A_24 : memref<100000x128xf32, #tpu.memory_space<hbm>>) target(%dma_start3A_19 : memref<64x128xf32, #tpu.memory_space<vmem>>) offsets(%dma_start3A_21 : memref<64xi32, #tpu.memory_space<vmem>>) semaphore(%arg13 : memref<!tpu.dma_semaphore, #tpu.memory_space<semaphore_mem>>)
    %dma_start3A_25 = arith.constant 64 : i32
    %dma_start3A_26 = arith.constant 0 : i32
    %dma_start3A_27 = tpu.memref_slice %arg10[%dma_start3A_25, %dma_start3A_26] : memref<128x128xf32, #tpu.memory_space<vmem>> -> memref<64x128xf32, #tpu.memory_space<vmem>>
    %dma_start3A_28 = arith.constant 64 : i32
    %dma_start3A_29 = tpu.memref_slice %arg8[%dma_start3A_28] : memref<128xi32, #tpu.memory_space<vmem>> -> memref<64xi32, #tpu.memory_space<vmem>>
    %dma_start3A_30 = arith.constant 0 : i32
    %dma_start3A_31 = arith.constant 0 : i32
    %dma_start3A_32 = tpu.memref_slice %arg2[%dma_start3A_30, %dma_start3A_31] : memref<100000x128xf32, #tpu.memory_space<hbm>> -> memref<100000x128xf32, #tpu.memory_space<hbm>>
    tpu.enqueue_indirect_dma source(%dma_start3A_32 : memref<100000x128xf32, #tpu.memory_space<hbm>>) target(%dma_start3A_27 : memref<64x128xf32, #tpu.memory_space<vmem>>) offsets(%dma_start3A_29 : memref<64xi32, #tpu.memory_space<vmem>>) semaphore(%arg12 : memref<!tpu.dma_semaphore, #tpu.memory_space<semaphore_mem>>)
    %dma_start3A_33 = arith.constant 64 : i32
    %dma_start3A_34 = arith.constant 0 : i32
    %dma_start3A_35 = tpu.memref_slice %arg11[%dma_start3A_33, %dma_start3A_34] : memref<128x128xf32, #tpu.memory_space<vmem>> -> memref<64x128xf32, #tpu.memory_space<vmem>>
    %dma_start3A_36 = arith.constant 64 : i32
    %dma_start3A_37 = tpu.memref_slice %arg9[%dma_start3A_36] : memref<128xi32, #tpu.memory_space<vmem>> -> memref<64xi32, #tpu.memory_space<vmem>>
    %dma_start3A_38 = arith.constant 0 : i32
    %dma_start3A_39 = arith.constant 0 : i32
    %dma_start3A_40 = tpu.memref_slice %arg4[%dma_start3A_38, %dma_start3A_39] : memref<100000x128xf32, #tpu.memory_space<hbm>> -> memref<100000x128xf32, #tpu.memory_space<hbm>>
    tpu.enqueue_indirect_dma source(%dma_start3A_40 : memref<100000x128xf32, #tpu.memory_space<hbm>>) target(%dma_start3A_35 : memref<64x128xf32, #tpu.memory_space<vmem>>) offsets(%dma_start3A_37 : memref<64xi32, #tpu.memory_space<vmem>>) semaphore(%arg13 : memref<!tpu.dma_semaphore, #tpu.memory_space<semaphore_mem>>)
    %dma_wait3A_41 = arith.constant 0 : i32
    %dma_wait3A_42 = arith.constant 0 : i32
    %dma_wait3A_43 = tpu.memref_slice %arg10[%dma_wait3A_41, %dma_wait3A_42] : memref<128x128xf32, #tpu.memory_space<vmem>> -> memref<64x128xf32, #tpu.memory_space<vmem>>
    %dma_wait3A_44 = arith.constant 0 : i32
    %dma_wait3A_45 = tpu.memref_slice %arg8[%dma_wait3A_44] : memref<128xi32, #tpu.memory_space<vmem>> -> memref<64xi32, #tpu.memory_space<vmem>>
    %dma_wait3A_46 = arith.constant 0 : i32
    %dma_wait3A_47 = arith.constant 0 : i32
    %dma_wait3A_48 = tpu.memref_slice %arg2[%dma_wait3A_46, %dma_wait3A_47] : memref<100000x128xf32, #tpu.memory_space<hbm>> -> memref<100000x128xf32, #tpu.memory_space<hbm>>
    tpu.wait_indirect_dma semaphore(%arg12 : memref<!tpu.dma_semaphore, #tpu.memory_space<semaphore_mem>>) src(%dma_wait3A_48 : memref<100000x128xf32, #tpu.memory_space<hbm>>) dst(%dma_wait3A_43 : memref<64x128xf32, #tpu.memory_space<vmem>>)
    %dma_start3A_49 = arith.constant 0 : i32
    %dma_start3A_50 = arith.constant 0 : i32
    %dma_start3A_51 = tpu.memref_slice %arg10[%dma_start3A_49, %dma_start3A_50] : memref<128x128xf32, #tpu.memory_space<vmem>> -> memref<64x128xf32, #tpu.memory_space<vmem>>
    %dma_start3A_52 = arith.constant 0 : i32
    %dma_start3A_53 = tpu.memref_slice %arg6[%mul3A_2, %dma_start3A_52] : memref<4096x128xf32, #tpu.memory_space<hbm>> -> memref<64x128xf32, #tpu.memory_space<hbm>>
    %dma_start3A_54 = arith.constant 0 : i32
    %dma_start3A_55 = tpu.memref_slice %arg6[%mul3A_2, %dma_start3A_54] : memref<4096x128xf32, #tpu.memory_space<hbm>> -> memref<64x128xf32, #tpu.memory_space<hbm>>
    %dma_start3A_56 = arith.constant 0 : i32
    %dma_start3A_57 = arith.constant 0 : i32
    %dma_start3A_58 = tpu.memref_slice %arg10[%dma_start3A_56, %dma_start3A_57] : memref<128x128xf32, #tpu.memory_space<vmem>> -> memref<64x128xf32, #tpu.memory_space<vmem>>
    tpu.enqueue_dma source(%dma_start3A_58 : memref<64x128xf32, #tpu.memory_space<vmem>>) target(%dma_start3A_55 : memref<64x128xf32, #tpu.memory_space<hbm>>) target_semaphore(%arg15 : memref<!tpu.dma_semaphore, #tpu.memory_space<semaphore_mem>>)
    %dma_wait3A_59 = arith.constant 0 : i32
    %dma_wait3A_60 = arith.constant 0 : i32
    %dma_wait3A_61 = tpu.memref_slice %arg11[%dma_wait3A_59, %dma_wait3A_60] : memref<128x128xf32, #tpu.memory_space<vmem>> -> memref<64x128xf32, #tpu.memory_space<vmem>>
    %dma_wait3A_62 = arith.constant 0 : i32
    %dma_wait3A_63 = tpu.memref_slice %arg9[%dma_wait3A_62] : memref<128xi32, #tpu.memory_space<vmem>> -> memref<64xi32, #tpu.memory_space<vmem>>
    %dma_wait3A_64 = arith.constant 0 : i32
    %dma_wait3A_65 = arith.constant 0 : i32
    %dma_wait3A_66 = tpu.memref_slice %arg4[%dma_wait3A_64, %dma_wait3A_65] : memref<100000x128xf32, #tpu.memory_space<hbm>> -> memref<100000x128xf32, #tpu.memory_space<hbm>>
    tpu.wait_indirect_dma semaphore(%arg13 : memref<!tpu.dma_semaphore, #tpu.memory_space<semaphore_mem>>) src(%dma_wait3A_66 : memref<100000x128xf32, #tpu.memory_space<hbm>>) dst(%dma_wait3A_61 : memref<64x128xf32, #tpu.memory_space<vmem>>)
    %dma_start3A_67 = arith.constant 0 : i32
    %dma_start3A_68 = arith.constant 0 : i32
    %dma_start3A_69 = tpu.memref_slice %arg11[%dma_start3A_67, %dma_start3A_68] : memref<128x128xf32, #tpu.memory_space<vmem>> -> memref<64x128xf32, #tpu.memory_space<vmem>>
    %dma_start3A_70 = arith.constant 0 : i32
    %dma_start3A_71 = tpu.memref_slice %arg7[%mul3A_2, %dma_start3A_70] : memref<4096x128xf32, #tpu.memory_space<hbm>> -> memref<64x128xf32, #tpu.memory_space<hbm>>
    %dma_start3A_72 = arith.constant 0 : i32
    %dma_start3A_73 = tpu.memref_slice %arg7[%mul3A_2, %dma_start3A_72] : memref<4096x128xf32, #tpu.memory_space<hbm>> -> memref<64x128xf32, #tpu.memory_space<hbm>>
    %dma_start3A_74 = arith.constant 0 : i32
    %dma_start3A_75 = arith.constant 0 : i32
    %dma_start3A_76 = tpu.memref_slice %arg11[%dma_start3A_74, %dma_start3A_75] : memref<128x128xf32, #tpu.memory_space<vmem>> -> memref<64x128xf32, #tpu.memory_space<vmem>>
    tpu.enqueue_dma source(%dma_start3A_76 : memref<64x128xf32, #tpu.memory_space<vmem>>) target(%dma_start3A_73 : memref<64x128xf32, #tpu.memory_space<hbm>>) target_semaphore(%arg15 : memref<!tpu.dma_semaphore, #tpu.memory_space<semaphore_mem>>)
    %dma_wait3A_77 = arith.constant 64 : i32
    %dma_wait3A_78 = arith.constant 0 : i32
    %dma_wait3A_79 = tpu.memref_slice %arg10[%dma_wait3A_77, %dma_wait3A_78] : memref<128x128xf32, #tpu.memory_space<vmem>> -> memref<64x128xf32, #tpu.memory_space<vmem>>
    %dma_wait3A_80 = arith.constant 64 : i32
    %dma_wait3A_81 = tpu.memref_slice %arg8[%dma_wait3A_80] : memref<128xi32, #tpu.memory_space<vmem>> -> memref<64xi32, #tpu.memory_space<vmem>>
    %dma_wait3A_82 = arith.constant 0 : i32
    %dma_wait3A_83 = arith.constant 0 : i32
    %dma_wait3A_84 = tpu.memref_slice %arg2[%dma_wait3A_82, %dma_wait3A_83] : memref<100000x128xf32, #tpu.memory_space<hbm>> -> memref<100000x128xf32, #tpu.memory_space<hbm>>
    tpu.wait_indirect_dma semaphore(%arg12 : memref<!tpu.dma_semaphore, #tpu.memory_space<semaphore_mem>>) src(%dma_wait3A_84 : memref<100000x128xf32, #tpu.memory_space<hbm>>) dst(%dma_wait3A_79 : memref<64x128xf32, #tpu.memory_space<vmem>>)
    %add3A_85 = arith.constant 64 : i32
    %add3A_86 = arith.addi %mul3A_2, %add3A_85 : i32
    %dma_start3A_87 = arith.constant 64 : i32
    %dma_start3A_88 = arith.constant 0 : i32
    %dma_start3A_89 = tpu.memref_slice %arg10[%dma_start3A_87, %dma_start3A_88] : memref<128x128xf32, #tpu.memory_space<vmem>> -> memref<64x128xf32, #tpu.memory_space<vmem>>
    %dma_start3A_90 = arith.constant 0 : i32
    %dma_start3A_91 = tpu.memref_slice %arg6[%add3A_86, %dma_start3A_90] : memref<4096x128xf32, #tpu.memory_space<hbm>> -> memref<64x128xf32, #tpu.memory_space<hbm>>
    %dma_start3A_92 = arith.constant 0 : i32
    %dma_start3A_93 = tpu.memref_slice %arg6[%add3A_86, %dma_start3A_92] : memref<4096x128xf32, #tpu.memory_space<hbm>> -> memref<64x128xf32, #tpu.memory_space<hbm>>
    %dma_start3A_94 = arith.constant 64 : i32
    %dma_start3A_95 = arith.constant 0 : i32
    %dma_start3A_96 = tpu.memref_slice %arg10[%dma_start3A_94, %dma_start3A_95] : memref<128x128xf32, #tpu.memory_space<vmem>> -> memref<64x128xf32, #tpu.memory_space<vmem>>
    tpu.enqueue_dma source(%dma_start3A_96 : memref<64x128xf32, #tpu.memory_space<vmem>>) target(%dma_start3A_93 : memref<64x128xf32, #tpu.memory_space<hbm>>) target_semaphore(%arg15 : memref<!tpu.dma_semaphore, #tpu.memory_space<semaphore_mem>>)
    %dma_wait3A_97 = arith.constant 64 : i32
    %dma_wait3A_98 = arith.constant 0 : i32
    %dma_wait3A_99 = tpu.memref_slice %arg11[%dma_wait3A_97, %dma_wait3A_98] : memref<128x128xf32, #tpu.memory_space<vmem>> -> memref<64x128xf32, #tpu.memory_space<vmem>>
    %dma_wait3A_100 = arith.constant 64 : i32
    %dma_wait3A_101 = tpu.memref_slice %arg9[%dma_wait3A_100] : memref<128xi32, #tpu.memory_space<vmem>> -> memref<64xi32, #tpu.memory_space<vmem>>
    %dma_wait3A_102 = arith.constant 0 : i32
    %dma_wait3A_103 = arith.constant 0 : i32
    %dma_wait3A_104 = tpu.memref_slice %arg4[%dma_wait3A_102, %dma_wait3A_103] : memref<100000x128xf32, #tpu.memory_space<hbm>> -> memref<100000x128xf32, #tpu.memory_space<hbm>>
    tpu.wait_indirect_dma semaphore(%arg13 : memref<!tpu.dma_semaphore, #tpu.memory_space<semaphore_mem>>) src(%dma_wait3A_104 : memref<100000x128xf32, #tpu.memory_space<hbm>>) dst(%dma_wait3A_99 : memref<64x128xf32, #tpu.memory_space<vmem>>)
    %add3A_105 = arith.constant 64 : i32
    %add3A_106 = arith.addi %mul3A_2, %add3A_105 : i32
    %dma_start3A_107 = arith.constant 64 : i32
    %dma_start3A_108 = arith.constant 0 : i32
    %dma_start3A_109 = tpu.memref_slice %arg11[%dma_start3A_107, %dma_start3A_108] : memref<128x128xf32, #tpu.memory_space<vmem>> -> memref<64x128xf32, #tpu.memory_space<vmem>>
    %dma_start3A_110 = arith.constant 0 : i32
    %dma_start3A_111 = tpu.memref_slice %arg7[%add3A_106, %dma_start3A_110] : memref<4096x128xf32, #tpu.memory_space<hbm>> -> memref<64x128xf32, #tpu.memory_space<hbm>>
    %dma_start3A_112 = arith.constant 0 : i32
    %dma_start3A_113 = tpu.memref_slice %arg7[%add3A_106, %dma_start3A_112] : memref<4096x128xf32, #tpu.memory_space<hbm>> -> memref<64x128xf32, #tpu.memory_space<hbm>>
    %dma_start3A_114 = arith.constant 64 : i32
    %dma_start3A_115 = arith.constant 0 : i32
    %dma_start3A_116 = tpu.memref_slice %arg11[%dma_start3A_114, %dma_start3A_115] : memref<128x128xf32, #tpu.memory_space<vmem>> -> memref<64x128xf32, #tpu.memory_space<vmem>>
    tpu.enqueue_dma source(%dma_start3A_116 : memref<64x128xf32, #tpu.memory_space<vmem>>) target(%dma_start3A_113 : memref<64x128xf32, #tpu.memory_space<hbm>>) target_semaphore(%arg15 : memref<!tpu.dma_semaphore, #tpu.memory_space<semaphore_mem>>)
    %dma_wait3A_117 = arith.constant 0 : i32
    %dma_wait3A_118 = arith.constant 0 : i32
    %dma_wait3A_119 = tpu.memref_slice %arg10[%dma_wait3A_117, %dma_wait3A_118] : memref<128x128xf32, #tpu.memory_space<vmem>> -> memref<64x128xf32, #tpu.memory_space<vmem>>
    %dma_wait3A_120 = arith.constant 0 : i32
    %dma_wait3A_121 = tpu.memref_slice %arg6[%mul3A_2, %dma_wait3A_120] : memref<4096x128xf32, #tpu.memory_space<hbm>> -> memref<64x128xf32, #tpu.memory_space<hbm>>
    %dma_wait3A_122 = arith.constant 0 : i32
    %dma_wait3A_123 = tpu.memref_slice %arg6[%mul3A_2, %dma_wait3A_122] : memref<4096x128xf32, #tpu.memory_space<hbm>> -> memref<64x128xf32, #tpu.memory_space<hbm>>
    %dma_wait3A_124 = arith.constant 0 : i32
    %dma_wait3A_125 = arith.constant 0 : i32
    %dma_wait3A_126 = tpu.memref_slice %arg10[%dma_wait3A_124, %dma_wait3A_125] : memref<128x128xf32, #tpu.memory_space<vmem>> -> memref<64x128xf32, #tpu.memory_space<vmem>>
    tpu.wait_dma2 semaphore(%arg15 : memref<!tpu.dma_semaphore, #tpu.memory_space<semaphore_mem>>) src(%dma_wait3A_126 : memref<64x128xf32, #tpu.memory_space<vmem>>) dst(%dma_wait3A_123 : memref<64x128xf32, #tpu.memory_space<hbm>>)
    %dma_wait3A_127 = arith.constant 0 : i32
    %dma_wait3A_128 = arith.constant 0 : i32
    %dma_wait3A_129 = tpu.memref_slice %arg11[%dma_wait3A_127, %dma_wait3A_128] : memref<128x128xf32, #tpu.memory_space<vmem>> -> memref<64x128xf32, #tpu.memory_space<vmem>>
    %dma_wait3A_130 = arith.constant 0 : i32
    %dma_wait3A_131 = tpu.memref_slice %arg7[%mul3A_2, %dma_wait3A_130] : memref<4096x128xf32, #tpu.memory_space<hbm>> -> memref<64x128xf32, #tpu.memory_space<hbm>>
    %dma_wait3A_132 = arith.constant 0 : i32
    %dma_wait3A_133 = tpu.memref_slice %arg7[%mul3A_2, %dma_wait3A_132] : memref<4096x128xf32, #tpu.memory_space<hbm>> -> memref<64x128xf32, #tpu.memory_space<hbm>>
    %dma_wait3A_134 = arith.constant 0 : i32
    %dma_wait3A_135 = arith.constant 0 : i32
    %dma_wait3A_136 = tpu.memref_slice %arg11[%dma_wait3A_134, %dma_wait3A_135] : memref<128x128xf32, #tpu.memory_space<vmem>> -> memref<64x128xf32, #tpu.memory_space<vmem>>
    tpu.wait_dma2 semaphore(%arg15 : memref<!tpu.dma_semaphore, #tpu.memory_space<semaphore_mem>>) src(%dma_wait3A_136 : memref<64x128xf32, #tpu.memory_space<vmem>>) dst(%dma_wait3A_133 : memref<64x128xf32, #tpu.memory_space<hbm>>)
    %dma_wait3A_137 = arith.constant 64 : i32
    %dma_wait3A_138 = arith.constant 0 : i32
    %dma_wait3A_139 = tpu.memref_slice %arg10[%dma_wait3A_137, %dma_wait3A_138] : memref<128x128xf32, #tpu.memory_space<vmem>> -> memref<64x128xf32, #tpu.memory_space<vmem>>
    %dma_wait3A_140 = arith.constant 0 : i32
    %dma_wait3A_141 = tpu.memref_slice %arg6[%add3A_86, %dma_wait3A_140] : memref<4096x128xf32, #tpu.memory_space<hbm>> -> memref<64x128xf32, #tpu.memory_space<hbm>>
    %dma_wait3A_142 = arith.constant 0 : i32
    %dma_wait3A_143 = tpu.memref_slice %arg6[%add3A_86, %dma_wait3A_142] : memref<4096x128xf32, #tpu.memory_space<hbm>> -> memref<64x128xf32, #tpu.memory_space<hbm>>
    %dma_wait3A_144 = arith.constant 64 : i32
    %dma_wait3A_145 = arith.constant 0 : i32
    %dma_wait3A_146 = tpu.memref_slice %arg10[%dma_wait3A_144, %dma_wait3A_145] : memref<128x128xf32, #tpu.memory_space<vmem>> -> memref<64x128xf32, #tpu.memory_space<vmem>>
    tpu.wait_dma2 semaphore(%arg15 : memref<!tpu.dma_semaphore, #tpu.memory_space<semaphore_mem>>) src(%dma_wait3A_146 : memref<64x128xf32, #tpu.memory_space<vmem>>) dst(%dma_wait3A_143 : memref<64x128xf32, #tpu.memory_space<hbm>>)
    %dma_wait3A_147 = arith.constant 64 : i32
    %dma_wait3A_148 = arith.constant 0 : i32
    %dma_wait3A_149 = tpu.memref_slice %arg11[%dma_wait3A_147, %dma_wait3A_148] : memref<128x128xf32, #tpu.memory_space<vmem>> -> memref<64x128xf32, #tpu.memory_space<vmem>>
    %dma_wait3A_150 = arith.constant 0 : i32
    %dma_wait3A_151 = tpu.memref_slice %arg7[%add3A_106, %dma_wait3A_150] : memref<4096x128xf32, #tpu.memory_space<hbm>> -> memref<64x128xf32, #tpu.memory_space<hbm>>
    %dma_wait3A_152 = arith.constant 0 : i32
    %dma_wait3A_153 = tpu.memref_slice %arg7[%add3A_106, %dma_wait3A_152] : memref<4096x128xf32, #tpu.memory_space<hbm>> -> memref<64x128xf32, #tpu.memory_space<hbm>>
    %dma_wait3A_154 = arith.constant 64 : i32
    %dma_wait3A_155 = arith.constant 0 : i32
    %dma_wait3A_156 = tpu.memref_slice %arg11[%dma_wait3A_154, %dma_wait3A_155] : memref<128x128xf32, #tpu.memory_space<vmem>> -> memref<64x128xf32, #tpu.memory_space<vmem>>
    tpu.wait_dma2 semaphore(%arg15 : memref<!tpu.dma_semaphore, #tpu.memory_space<semaphore_mem>>) src(%dma_wait3A_156 : memref<64x128xf32, #tpu.memory_space<vmem>>) dst(%dma_wait3A_153 : memref<64x128xf32, #tpu.memory_space<hbm>>)
    return
  }
}

module attributes {stable_mosaic.version = 14 : i64} {
  func.func @_score_logsoftmax_body(%arg0: i32, %arg1: memref<512x128xf32, #tpu.memory_space<vmem>>, %arg2: memref<4096x128xf32, #tpu.memory_space<vmem>>, %arg3: memref<512x4096xf32, #tpu.memory_space<vmem>>) attributes {dimension_semantics = [#tpu.dimension_semantics<arbitrary>], iteration_bounds = array<i64: 8>, scalar_prefetch = 0 : i64, scratch_operands = 0 : i64, tpu.core_type = #tpu.core_type<tc>, window_params = [{transform_indices = @transform_0, window_bounds = array<i64: 512, 128>}, {pipeline_mode = #tpu.pipeline_mode<synchronous>, transform_indices = @transform_1, window_bounds = array<i64: 4096, 128>}, {transform_indices = @transform_2, window_bounds = array<i64: 512, 4096>}]} {
    %get3A = arith.constant 0 : index
    %get3A_0 = arith.constant 0 : index
    %get3A_1 = vector.load %arg1[%get3A, %get3A_0] : memref<512x128xf32, #tpu.memory_space<vmem>>, vector<512x128xf32>
    %get3A_2 = arith.constant 0 : index
    %get3A_3 = arith.constant 0 : index
    %get3A_4 = vector.load %arg2[%get3A_2, %get3A_3] : memref<4096x128xf32, #tpu.memory_space<vmem>>, vector<4096x128xf32>
    %dot_general3A = arith.constant dense<0.000000e+00> : vector<512x4096xf32>
    %dot_general3A_5 = tpu.matmul %get3A_1, %get3A_4, %dot_general3A {dimension_numbers = #tpu.dot_dimension_numbers<[1], [1], [0], [0], [0, 0, 1, 0], [], []>, transpose_lhs_hint = false} : vector<512x128xf32>, vector<4096x128xf32>, vector<512x4096xf32> -> vector<512x4096xf32>
    %exp3A = math.exp %dot_general3A_5 : vector<512x4096xf32>
    %reduce_sum3A = arith.constant dense<0.000000e+00> : vector<512xf32>
    %reduce_sum3A_6 = vector.multi_reduction <add>, %exp3A, %reduce_sum3A [1] : vector<512x4096xf32> to vector<512xf32>
    %broadcast_in_dim3A = vector.shape_cast %reduce_sum3A_6 : vector<512xf32> to vector<512x1xf32>
    %log3A = math.log %broadcast_in_dim3A : vector<512x1xf32>
    %sub3A = vector.broadcast %log3A : vector<512x1xf32> to vector<512x4096xf32>
    %sub3A_7 = arith.subf %dot_general3A_5, %sub3A : vector<512x4096xf32>
    %swap3A = arith.constant 0 : index
    %swap3A_8 = arith.constant 0 : index
    %swap3A_9 = vector.load %arg3[%swap3A, %swap3A_8] : memref<512x4096xf32, #tpu.memory_space<vmem>>, vector<512x4096xf32>
    tpu.vector_store %arg3[%swap3A, %swap3A_8], %sub3A_7 {strides = array<i32>} : memref<512x4096xf32, #tpu.memory_space<vmem>>, vector<512x4096xf32>,
    return
  }
  func.func @transform_0(%arg0: i32) -> (i32, i32) {
    %c0_i32 = arith.constant 0 : i32
    %c0_i32_0 = arith.constant 0 : i32
    return %arg0, %c0_i32 : i32, i32
  }
  func.func @transform_1(%arg0: i32) -> (i32, i32) {
    %c0_i32 = arith.constant 0 : i32
    %c0_i32_0 = arith.constant 0 : i32
    %c0_i32_1 = arith.constant 0 : i32
    return %c0_i32, %c0_i32_0 : i32, i32
  }
  func.func @transform_2(%arg0: i32) -> (i32, i32) {
    %c0_i32 = arith.constant 0 : i32
    %c0_i32_0 = arith.constant 0 : i32
    return %arg0, %c0_i32 : i32, i32
  }
}

</mosaic_0001>

<sc_bundles>
// kernel: kernel.4.cloned.1.call-start
scs
__scs_entry_jumppad:
0x0: {  	(pc) =	sbr.rel $0x88, $3  }
0x1: {  	(tag) =	ssettag $0x0;
	lr =	simm.s32 $0x1  }
0x2: {  	[smem:$0x3F9D] =	sst lr;
	_ =	strace $0xD0000000  }
0x3: {  	_ = 	snop  }
0x4: {  	_ = 	snop  }
0x5: {  	_ = 	snop  }
0x6: {  	_ = 	snop  }
0x7: {  	_ = 	snop  }
__scs_overlays_trampoline_lowered:
0x8: {  	[smem:$0x3FAC] =	sst s0  }
0x9: {  	[smem:$0x3FAD] =	sst s1  }
0xa: {  	[smem:$0x3FAE] =	sst s2  }
0xb: {  	[smem:$0x3FAF] =	sst s3  }
0xc: {  	[smem:$0x3FB0] =	sst s4  }
0xd: {  	[smem:$0x3FB1] =	sst s5  }
0xe: {  	[smem:$0x3FB2] =	sst s6  }
0xf: {  	[smem:$0x3FB3] =	sst s7  }
0x10: {  	[smem:$0x3FB4] =	sst s8  }
0x11: {  	[smem:$0x3FB5] =	sst s9;
	s0 =	simm.s32 @!p0 $0x0  }
0x12: {  	s1 =	sld [smem:$0x3F9B];
	s0 =	simm.s32 @p0 $0x1  }
0x13: {  	[smem:$0x3FB6] =	sst s0;
	s0 =	simm.s32 @!p1 $0x0  }
0x14: {  	s2 =	sld [smem:$0x3F9A];
	s0 =	simm.s32 @p1 $0x1  }
0x15: {  	[smem:$0x3FB7] =	sst s0;
	s0 =	simm.s32 @!p2 $0x0  }
0x16: {  	s3 =	sld [smem:$0x3FDB];
	s0 =	simm.s32 @p2 $0x1  }
0x17: {  	s4 =	simm.s32 $0x1BF5;
	[smem:$0x3FB9] =	sst s0  }
0x18: {  	s0 =	sld [smem:$0x3F9C];
	_ =	swait.ge [sflag:s4], $0x0  }
0x19: {  	s7 =	sld [smem:$0x3F9D]  }
0x1a: {  	s8 =	sadd.s32 $0xFFFFE003, lr  }
0x1b: {  	s9 =	sadd.s32 $0xFFFFFEF7, lr;
	s5 =	simm.s32 $0xFFFFFFFF;
	p2 =	slt.u32 s8, $0xFFFFF086  }
0x1c: {  	p1 =	slt.u32 s9, $0xF7A;
	s5 =	simm.s32 @!p2 $0x0  }
0x1d: {  	s5 =	simm.s32 @p1 $0x1;
	p0 =	seq.s32 s7, s2  }
0x1e: {  	s7 =	smul.u32 @!p0 $0xF7A, s2;
	p2 =	seq.s32 @!p0 s5, $0x0  }
0x1f: {  	s9 =	smul.u32 $0xF7A, s1;
	s8 =	simm.s32 @!p0 $0x1BF5;
	p2 =	por !p2, p0  }
0x20: {  	[sflag:s8] =	ssyncset.s32 @!p0 $0xFFFFF086;
	s6 =	sadd.s32 @!p0 s3, s7;
	s7 =	simm.s32 @!p0 $0x108  }
0x21: {  	s3 =	sadd.s32 s3, s9;
	s6 =	sadd.s32 @!p0 $0x88, s6;
	s7 =	simm.s32 @p2 $0x1082  }
0x22: {  	[simem:s7], [sflag:s8] =	dma.local @!p0 [hbm:s6], $0xF7A  }
0x23: {  	s9 =	sor.u32 $0xD0000000, s2;
	s6 =	simm.s32 $0x108;
	_ =	swait.ge @!p0 [sflag:s8], $0x0  }
0x24: {  	s3 =	sadd.s32 $0x88, s3;
	s6 =	simm.s32 @!p1 $0x1082;
	[sflag:s4] =	ssyncset.s32 $0xFFFFF086  }
0x25: {  	[simem:s6], [sflag:s4] =	dma.local [hbm:s3], $0xF7A  }
0x26: {  	[smem:$0x3F9D] =	sst s1;
	(tag) =	ssettag s2;
	_ =	strace s9  }
0x27: {  	s1 =	sld [smem:$0x3FAD]  }
0x28: {  	s2 =	sld [smem:$0x3FAE]  }
0x29: {  	s4 =	sld [smem:$0x3FB0]  }
0x2a: {  	p0 =	seq.s32 s5, $0x0;
	s5 =	sld [smem:$0x3FB1]  }
0x2b: {  	s6 =	sld [smem:$0x3FB2]  }
0x2c: {  	s7 =	sld [smem:$0x3FB3]  }
0x2d: {  	s3 =	simm.s32 $0x108;
	s8 =	sld [smem:$0x3FB4]  }
0x2e: {  	s3 =	simm.s32 @!p0 $0x1082;
	s9 =	sld [smem:$0x3FB5]  }
0x2f: {  	lr =	sadd.s32 s0, s3;
	s0 =	sld [smem:$0x3FAC]  }
0x30: {  	s3 =	sld [smem:$0x3FAF]  }
0x31: {  	[smem:$0x3FB8] =	sst s10  }
0x32: {  	s10 =	sld [smem:$0x3FB6];
	_ =	sdelay $0x3  }
0x33: {  	p0 =	seq.s32 s10, $0x1;
	s10 =	sld [smem:$0x3FB8];
	_ =	sdelay $0x3  }
0x34: {  	[smem:$0x3FB8] =	sst s10  }
0x35: {  	s10 =	sld [smem:$0x3FB7];
	_ =	sdelay $0x3  }
0x36: {  	p1 =	seq.s32 s10, $0x1;
	s10 =	sld [smem:$0x3FB8];
	_ =	sdelay $0x3  }
0x37: {  	[smem:$0x3FB8] =	sst s10  }
0x38: {  	s10 =	sld [smem:$0x3FB9]  }
0x39: {  	_ = 	snop;
	(pc) =	sbr.ind lr, $3  }
0x3a: {  	_ = 	snop  }
0x3b: {  	_ = 	snop  }
0x3c: {  	p2 =	seq.s32 s10, $0x1;
	s10 =	sld [smem:$0x3FB8]  }
0x3d: {  	_ =	shalt  }
0x3e: {  	_ =	shalt  }
0x3f: {  	_ =	shalt  }
0x40: {  	_ =	shalt  }
0x41: {  	_ =	shalt  }
0x42: {  	_ =	shalt  }
0x43: {  	_ =	shalt  }
0x44: {  	_ =	shalt  }
0x45: {  	_ =	shalt  }
0x46: {  	_ =	shalt  }
0x47: {  	_ =	shalt  }
0x48: {  	_ =	shalt  }
0x49: {  	_ =	shalt  }
0x4a: {  	_ =	shalt  }
0x4b: {  	_ =	shalt  }
0x4c: {  	_ =	shalt  }
0x4d: {  	_ =	shalt  }
0x4e: {  	_ =	shalt  }
0x4f: {  	_ =	shalt  }
0x50: {  	_ =	shalt  }
0x51: {  	_ =	shalt  }
0x52: {  	_ =	shalt  }
0x53: {  	_ =	shalt  }
0x54: {  	_ =	shalt  }
0x55: {  	_ =	shalt  }
0x56: {  	_ =	shalt  }
0x57: {  	_ =	shalt  }
0x58: {  	_ =	shalt  }
0x59: {  	_ =	shalt  }
0x5a: {  	_ =	shalt  }
0x5b: {  	_ =	shalt  }
0x5c: {  	_ =	shalt  }
0x5d: {  	_ =	shalt  }
0x5e: {  	_ =	shalt  }
0x5f: {  	_ =	shalt  }
0x60: {  	_ =	shalt  }
0x61: {  	_ =	shalt  }
0x62: {  	_ =	shalt  }
0x63: {  	_ =	shalt  }
0x64: {  	_ =	shalt  }
0x65: {  	_ =	shalt  }
0x66: {  	_ =	shalt  }
0x67: {  	_ =	shalt  }
0x68: {  	_ =	shalt  }
0x69: {  	_ =	shalt  }
0x6a: {  	_ =	shalt  }
0x6b: {  	_ =	shalt  }
0x6c: {  	_ =	shalt  }
0x6d: {  	_ =	shalt  }
0x6e: {  	_ =	shalt  }
0x6f: {  	_ =	shalt  }
0x70: {  	_ =	shalt  }
0x71: {  	_ =	shalt  }
0x72: {  	_ =	shalt  }
0x73: {  	_ =	shalt  }
0x74: {  	_ =	shalt  }
0x75: {  	_ =	shalt  }
0x76: {  	_ =	shalt  }
0x77: {  	_ =	shalt  }
0x78: {  	_ =	shalt  }
0x79: {  	_ =	shalt  }
0x7a: {  	_ =	shalt  }
0x7b: {  	_ =	shalt  }
0x7c: {  	_ =	shalt  }
0x7d: {  	_ =	shalt  }
0x7e: {  	_ =	shalt  }
0x7f: {  	_ =	shalt  }
0x80: {  	_ =	shalt  }
0x81: {  	_ =	shalt  }
0x82: {  	_ =	shalt  }
0x83: {  	_ =	shalt  }
0x84: {  	_ =	shalt  }
0x85: {  	_ =	shalt  }
0x86: {  	_ =	shalt  }
0x87: {  	_ =	shalt  }
.Lfunc_end0:
.L_simem_size_0:
called_computation_lowered:
.L_overlay_start_0:
0x88: {  	s2 =	sld [smem:$0x3FD9]  }
0x89: {  	s3 =	sld [smem:$0x3FFE];
	_ =	sdelay $0x1  }
0x8a: {  	s1 =	srdreg.scid  }
0x8b: {  	s0 =	sand.u32 $0x1, s1  }
0x8c: {  	s17 =	sshll.u32 s0, $0xA;
	s2 =	sadd.s32 s3, s2  }
0x8d: {  	s2 =	sadd.s32 s2, s17  }
0x8e: {  	[smem:$0x3FC4] =	sst s2  }
0x8f: {  	_ = 	snop  }
0x90: {  	s2 =	sld [smem:$0x3FC9]  }
0x91: {  	s18 =	sld [smem:$0x3FC8]  }
0x92: {  	s4 =	sld [smem:$0x3FC7]  }
0x93: {  	s5 =	sld [smem:$0x3FC6]  }
0x94: {  	s6 =	sld [smem:$0x3FD0];
	(tm) =	ssettm $0x1  }
0x95: {  	s7 =	sld [smem:$0x3FFB];
	_ =	sdelay $0x3  }
0x96: {  	_ =	strace s7  }
0x97: {  	s7 =	sld [smem:$0x3FFC];
	_ =	sdelay $0x3  }
0x98: {  	_ =	strace s7  }
0x99: {  	s7 =	sld [smem:$0x3FFD];
	_ =	sdelay $0x3  }
0x9a: {  	_ =	strace s7  }
0x9b: {  	_ =	strace $0x8FFFFFFF  }
0x9c: {  	s19 =	sld [smem:$0x3FDB];
	_ =	sdelay $0x1  }
0x9d: {  	s8 =	simm.s32 $_scs_section_size  }
0x9e: {  	s9 =	simm.s32 $_size__tile_overlayer_lowered;
	s10 =	simm.s32 $_tile_overlayer_lowered  }
0x9f: {  	s22 =	simm.s32 $0x1BFF;
	s21 =	sshll.u32 s10, $0x1;
	s7 =	sadd.s32 s8, s19  }
0xa0: {  	s11 =	simm.s32 $0x0;
	s20 =	sshll.u32 s9, $0x1;
	s9 =	sadd.s32 s21, s7  }
0xa1: {  	[timem:s11], [sflag:s22] =	dma.local [hbm:s9], s20  }
0xa2: {  	_ =	swait.ge [sflag:s22], s20  }
0xa3: {  	s8 =	ssub.s32 $0x0, s20;
	[sflag:s22] =	ssyncset.done $0x0  }
0xa4: {  	[sflag:s22] =	ssyncadd.s32 s8;
	_ =	sdelay $0x1  }
0xa5: {  	s23 =	simm.s32 $0x1B8B  }
0xa6: {  	_ =	swait.ge [sflag:s23], $0x1  }
0xa7: {  	[sflag:s23] =	ssyncset.done $0x0  }
0xa8: {  	s25 =	simm.s32 $0x1B8E;
	s24 =	sld [smem:$0x3FFE];
	[sflag:s23] =	ssyncadd.s32 $0xFFFFFFFF  }
0xa9: {  	s26 =	simm.s32 $execute0_lowered;
	[smem:$0x3FD2] =	sst s25  }
0xaa: {  	s9 =	sshll.u32 s26, $0x1;
	_ =	strace $0x80000046;
	[dreg:$0x1] =	wrdreg $0xFFFFFFFF  }
0xab: {  	s28 =	simm.s32 $_size_execute0_lowered;
	s7 =	sadd.s32 s7, s9;
	[dreg:$0x0] =	wrdreg $0x0  }
0xac: {  	s9 =	sshll.u32 s28, $0x1;
	[dreg:$0x2] =	wrdreg s7  }
0xad: {  	[dreg:$0x3] =	wrdreg s9  }
0xae: {  	[dreg:$0x4] =	wrdreg $0xC0  }
0xaf: {  	_ =	task [dreg:s11], $0x5FFFF  }
0xb0: {  	[dreg:$0x1] =	wrdreg $0xFFFFFFFF  }
0xb1: {  	[dreg:$0x0] =	wrdreg $0x60  }
0xb2: {  	[dreg:$0x2] =	wrdreg s4  }
0xb3: {  	[dreg:$0x3] =	wrdreg s2  }
0xb4: {  	[dreg:$0x4] =	wrdreg s5  }
0xb5: {  	[dreg:$0x5] =	wrdreg s18  }
0xb6: {  	[dreg:$0x6] =	wrdreg s6  }
0xb7: {  	[dreg:$0x7] =	wrdreg s24  }
0xb8: {  	[dreg:$0x8] =	wrdreg $0x9  }
0xb9: {  	_ =	task.clear_ibuf [dreg:s11], $0x9FFFF;
	_ =	strace $0x90000046  }
0xba: {  	s29 =	simm.s32 $0x9;
	_ =	strace $0x80000048  }
0xbb: {  	_ =	swait.ge [sflag:s29], $0x1  }
0xbc: {  	[sflag:s29] =	ssyncadd.s32 $0xFFFFFFFF  }
0xbd: {  	_ =	strace $0x90000048  }
0xbe: {  	_ =	sfence  }
0xbf: {  	s30 =	sld [smem:$0x0];
	_ =	sdelay $0x2  }
0xc0: {  	s31 =	sshll.u32 s1, $0xD;
	s1 =	sshrl.u32 s1, $0x2  }
0xc1: {  	s3 =	sand.u32 $0x4000, s31;
	s1 =	sadd.s32 s1, s30  }
0xc2: {  	s0 =	sor.u32 s3, s0;
	s1 =	sshll.u32 s1, $0x11  }
0xc3: {  	s0 =	sor.u32 s1, s0  }
0xc4: {  	s0 =	sadd.s32 $0x8F2B, s0  }
0xc5: {  	[sflag:s0] =	ssyncadd.remote.s32 $0x1  }
0xc6: {  	_ =	sfence.sel $0xFFFF  }
0xc7: {  	[dreg:$0x0] =	wrdreg $0xFFFFFFFF;
	(pc) =	sbr.abs _section_cstart, $3  }
0xc8: {  	[dreg:$0x1] =	wrdreg $0xFFFFFFFF  }
0xc9: {  	_ =	task.clear_ibuf [dreg:s11], $0x2FFFF;
	_ =	strace $0x9FFFFFFF  }
0xca: {  	(tm) =	ssettm $0x7FFFFFFF  }
0xcb: {  	_ =	shalt  }
tec
execute0_lowered:
.L_overlay_start_1:
0x0: {  	(tag) =	ssettag $0x1  }
0x1: {  	s0 =	rddreg [dreg:$0x0]  }
0x2: {  	s5 =	rddreg [dreg:$0x1]  }
0x3: {  	s2 =	rddreg [dreg:$0x2];
	s3 =	srdreg.scid  }
0x4: {  	s6 =	rddreg [dreg:$0x3];
	s1 =	stileid.u32;
	s22 =	sand.u32 $0x1, s3  }
0x5: {  	s19 =	rddreg [dreg:$0x4];
	s7 =	sshll.u32 s1, $0x8;
	s8 =	sshll.u32 s22, $0x7  }
0x6: {  	s18 =	rddreg [dreg:$0x5];
	s4 =	simm.s32 $0x0;
	s16 =	sor.u32 s8, s7  }
0x7: {  	[smem:$0x7FF] =	sst s4;
	s7 =	sshrl.u32 s16, $0x3  }
0x8: {  	s3 =	rddreg [dreg:$0x6];
	_ =	strace $0x80000047;
	s5 =	sadd.s32 s5, s7  }
0x9: {  	[tilespmem:s4], [sflag:$0x3] =	stream.linear.gather [hbm4b:s5+s4], $0x80, $0x38;
	[tilespmem:$0x8100] =	vst v63  }
0xa: {  	s8 =	simm.s32 $0x3;
	s6 =	sadd.s32 s6, s7;
	s7 =	simm.s32 $0x80  }
0xb: {  	[tilespmem:s7], [sflag:$0x3] =	stream.linear.gather [hbm4b:s6+s4], $0x80, $0x38;
	[tilespmem:$0x8100] =	vst v63  }
0xc: {  	_ =	swait.ge [sflag:s8], $0x80  }
0xd: {  	[sflag:s8] =	ssyncset.done $0x0  }
0xe: {  	s9 =	simm.s32 $0x40;
	s10 =	simm.s32 $0x100;
	[sflag:s8] =	ssyncadd.s32 $0xFFFFFF80  }
0xf: {  	[tilespmem:s10], [sflag:$0x1] =	stream.indirect.gather [hbm4b:s0+s9], $0x80, s4, s9, $0xb8;
	[tilespmem:$0x8100] =	vst v63  }
0x10: {  	_ =	swait.ge [sflag:s8], $0x80  }
0x11: {  	[sflag:s8] =	ssyncset.done $0x0  }
0x12: {  	s11 =	simm.s32 $0x4100;
	[sflag:s8] =	ssyncadd.s32 $0xFFFFFF80  }
0x13: {  	[tilespmem:s11], [sflag:$0x2] =	stream.indirect.gather [hbm4b:s2+s9], $0x80, s7, s9, $0xb8;
	[tilespmem:$0x8100] =	vst v63  }
0x14: {  	s12 =	simm.s32 $0x2100  }
0x15: {  	[tilespmem:s12], [sflag:$0x1] =	stream.indirect.gather [hbm4b:s0+s9], $0x80, s9, s9, $0xb8;
	[tilespmem:$0x8100] =	vst v63  }
0x16: {  	s13 =	simm.s32 $0xC0;
	s14 =	simm.s32 $0x6100;
	s15 =	simm.s32 $0x1  }
0x17: {  	[tilespmem:s14], [sflag:$0x2] =	stream.indirect.gather [hbm4b:s2+s9], $0x80, s13, s9, $0xb8;
	[tilespmem:$0x8100] =	vst v63  }
0x18: {  	_ =	swait.ge [sflag:s15], $0x2000  }
0x19: {  	s20 =	sshll.u32 s16, $0x4;
	[sflag:s15] =	ssyncset.done $0x0  }
0x1a: {  	s17 =	simm.s32 $0x2;
	s16 =	sadd.s32 s19, s20;
	[sflag:s15] =	ssyncadd.s32 $0xFFFFE000  }
0x1b: {  	[hbm4b:s16+s4] =	stream.linear.scatter [tilespmem:s10], [sflag:$0x4], $0x2000, $0x38;
	[tilespmem:$0x8100] =	vst v63  }
0x1c: {  	_ =	swait.ge [sflag:s17], $0x2000  }
0x1d: {  	s21 =	sadd.s32 $0xC00, s18;
	[sflag:s17] =	ssyncset.done $0x0  }
0x1e: {  	s18 =	sadd.s32 s21, s20;
	[sflag:s17] =	ssyncadd.s32 $0xFFFFE000  }
0x1f: {  	[hbm4b:s18+s4] =	stream.linear.scatter [tilespmem:s11], [sflag:$0x4], $0x2000, $0x38;
	[tilespmem:$0x8100] =	vst v63  }
0x20: {  	_ =	swait.ge [sflag:s15], $0x2000  }
0x21: {  	s20 =	sor.u32 $0x400, s20;
	[sflag:s15] =	ssyncset.done $0x0  }
0x22: {  	s19 =	sadd.s32 s19, s20;
	[sflag:s15] =	ssyncadd.s32 $0xFFFFE000  }
0x23: {  	[hbm4b:s19+s4] =	stream.linear.scatter [tilespmem:s12], [sflag:$0x4], $0x2000, $0x38;
	[tilespmem:$0x8100] =	vst v63  }
0x24: {  	_ =	swait.ge [sflag:s17], $0x2000  }
0x25: {  	[sflag:s17] =	ssyncset.done $0x0  }
0x26: {  	s21 =	sadd.s32 s21, s20;
	s20 =	simm.s32 $0x4;
	[sflag:s17] =	ssyncadd.s32 $0xFFFFE000  }
0x27: {  	[hbm4b:s21+s4] =	stream.linear.scatter [tilespmem:s14], [sflag:$0x4], $0x2000, $0x38;
	[tilespmem:$0x8100] =	vst v63  }
0x28: {  	_ =	swait.ge [sflag:s20], $0x2000  }
0x29: {  	s22 =	ssub.s32 $0x2, s22;
	[sflag:s20] =	ssyncset.done $0x0  }
0x2a: {  	s23 =	sshrl.u32 s22, $0x1;
	[sflag:s20] =	ssyncadd.s32 $0xFFFFE000  }
0x2b: {  	s22 =	ssub.s32 s22, s23;
	_ =	swait.ge [sflag:s20], $0x2000  }
0x2c: {  	s22 =	smax.u32 s22, $0x1;
	[sflag:s20] =	ssyncset.done $0x0  }
0x2d: {  	p0 =	sne.s32 s22, $0x1;
	[sflag:s20] =	ssyncadd.s32 $0xFFFFE000  }
.Ltmp0:
0x2e: {  	_ =	swait.ge [sflag:s20], $0x2000;
	(pc) =	sbr.rel @!p0 .LBB2_2-.Ltmp0, $4  }
0x2f: {  	[sflag:s20] =	ssyncset.done $0x0  }
0x30: {  	[sflag:s20] =	ssyncadd.s32 $0xFFFFE000  }
0x31: {  	_ =	swait.ge [sflag:s20], $0x2000  }
0x32: {  	s22 =	sadd.s32 $0xFFFFFFFF, s22;
	[sflag:s20] =	ssyncset.done $0x0  }
.LBB2_1:
0x33: {  	p0 =	sne.s32 s22, $0x1;
	s22 =	sadd.s32 $0xFFFFFFFF, s22;
	[sflag:s20] =	ssyncadd.s32 $0xFFFFE000  }
0x34: {  	[tilespmem:s4], [sflag:$0x3] =	stream.linear.gather [hbm4b:s5+s4], $0x80, $0x38;
	[tilespmem:$0x8100] =	vst v63  }
0x35: {  	_ = 	snop  }
0x36: {  	[tilespmem:s7], [sflag:$0x3] =	stream.linear.gather [hbm4b:s6+s4], $0x80, $0x38;
	[tilespmem:$0x8100] =	vst v63  }
0x37: {  	_ =	swait.ge [sflag:s8], $0x80  }
0x38: {  	[sflag:s8] =	ssyncset.done $0x0  }
0x39: {  	[sflag:s8] =	ssyncadd.s32 $0xFFFFFF80  }
0x3a: {  	[tilespmem:s10], [sflag:$0x1] =	stream.indirect.gather [hbm4b:s0+s9], $0x80, s4, s9, $0xb8;
	[tilespmem:$0x8100] =	vst v63  }
0x3b: {  	_ =	swait.ge [sflag:s8], $0x80  }
0x3c: {  	[sflag:s8] =	ssyncset.done $0x0  }
0x3d: {  	[sflag:s8] =	ssyncadd.s32 $0xFFFFFF80  }
0x3e: {  	[tilespmem:s11], [sflag:$0x2] =	stream.indirect.gather [hbm4b:s2+s9], $0x80, s7, s9, $0xb8;
	[tilespmem:$0x8100] =	vst v63  }
0x3f: {  	_ = 	snop  }
0x40: {  	[tilespmem:s12], [sflag:$0x1] =	stream.indirect.gather [hbm4b:s0+s9], $0x80, s9, s9, $0xb8;
	[tilespmem:$0x8100] =	vst v63  }
0x41: {  	_ = 	snop  }
0x42: {  	[tilespmem:s14], [sflag:$0x2] =	stream.indirect.gather [hbm4b:s2+s9], $0x80, s13, s9, $0xb8;
	[tilespmem:$0x8100] =	vst v63  }
0x43: {  	_ =	swait.ge [sflag:s15], $0x2000  }
0x44: {  	[sflag:s15] =	ssyncset.done $0x0  }
0x45: {  	[sflag:s15] =	ssyncadd.s32 $0xFFFFE000  }
0x46: {  	[hbm4b:s16+s4] =	stream.linear.scatter [tilespmem:s10], [sflag:$0x4], $0x2000, $0x38;
	[tilespmem:$0x8100] =	vst v63  }
0x47: {  	_ =	swait.ge [sflag:s17], $0x2000  }
0x48: {  	[sflag:s17] =	ssyncset.done $0x0  }
0x49: {  	[sflag:s17] =	ssyncadd.s32 $0xFFFFE000  }
0x4a: {  	[hbm4b:s18+s4] =	stream.linear.scatter [tilespmem:s11], [sflag:$0x4], $0x2000, $0x38;
	[tilespmem:$0x8100] =	vst v63  }
0x4b: {  	_ =	swait.ge [sflag:s15], $0x2000  }
0x4c: {  	[sflag:s15] =	ssyncset.done $0x0  }
0x4d: {  	[sflag:s15] =	ssyncadd.s32 $0xFFFFE000  }
0x4e: {  	[hbm4b:s19+s4] =	stream.linear.scatter [tilespmem:s12], [sflag:$0x4], $0x2000, $0x38;
	[tilespmem:$0x8100] =	vst v63  }
0x4f: {  	_ =	swait.ge [sflag:s17], $0x2000  }
0x50: {  	[sflag:s17] =	ssyncset.done $0x0  }
0x51: {  	[sflag:s17] =	ssyncadd.s32 $0xFFFFE000  }
0x52: {  	[hbm4b:s21+s4] =	stream.linear.scatter [tilespmem:s14], [sflag:$0x4], $0x2000, $0x38;
	[tilespmem:$0x8100] =	vst v63  }
0x53: {  	_ =	swait.ge [sflag:s20], $0x2000  }
0x54: {  	[sflag:s20] =	ssyncset.done $0x0  }
0x55: {  	[sflag:s20] =	ssyncadd.s32 $0xFFFFE000  }
0x56: {  	_ =	swait.ge [sflag:s20], $0x2000  }
0x57: {  	[sflag:s20] =	ssyncset.done $0x0  }
0x58: {  	[sflag:s20] =	ssyncadd.s32 $0xFFFFE000  }
.Ltmp1:
0x59: {  	_ =	swait.ge [sflag:s20], $0x2000;
	(pc) =	sbr.rel @p0 .LBB2_1-.Ltmp1, $4  }
0x5a: {  	[sflag:s20] =	ssyncset.done $0x0  }
0x5b: {  	[sflag:s20] =	ssyncadd.s32 $0xFFFFE000  }
0x5c: {  	_ =	swait.ge [sflag:s20], $0x2000  }
0x5d: {  	[sflag:s20] =	ssyncset.done $0x0  }
.LBB2_2:
0x5e: {  	[sflag:s20] =	ssyncadd.s32 $0xFFFFE000  }
0x5f: {  	_ =	sfence.sel $0x180000  }
0x60: {  	[bflag:$0x0] =	sbarrier.arrive $0xFFFF  }
0x61: {  	p0 =	sne.s32 s1, $0x0;
	_ =	strace $0x90000047  }
0x62: {  	s0 =	sadd.s32 @!p0 $0x100000, s3;
	[bflag:$0x2] =	sbarrier.arrive $0xFFFF  }
0x63: {  	[sflag:s0] =	ssyncadd.tile.s32 @!p0 $0x1;
	_ =	shalt  }
.Lfunc_end2:
_tile_overlayer_lowered:
.L_overlay_start_2:
0x64: {  	(tag) =	ssettag $0x2  }
0x65: {  	s0 =	rddreg [dreg:$0x0];
	s2 =	stileid.u32  }
0x66: {  	s1 =	rddreg [dreg:$0x1];
	p0 =	sne.s32 s2, $0x0  }
0x67: {  	s3 =	rddreg [dreg:$0x2];
	[bflag:$0x3] =	sbarrier.arrive $0xFFFF;
	s2 =	simm.s32 @!p0 $0x1C05  }
0x68: {  	[timem:s3], [sflag:s2] =	dma.local @!p0 [hbm:s0], s1  }
0x69: {  	s0 =	simm.s32 @!p0 $0x5  }
0x6a: {  	_ =	swait.ge @!p0 [sflag:s0], s1  }
0x6b: {  	s1 =	ssub.s32 @!p0 $0x0, s1;
	[sflag:s0] =	ssyncset.done @!p0 $0x0  }
0x6c: {  	[sflag:s0] =	ssyncadd.s32 @!p0 s1  }
0x6d: {  	[bflag:$0x3] =	sbarrier.arrive $0xFFFF  }
0x6e: {  	_ =	shalt  }

</sc_bundles>
